<compile_context>
chip_gen: v7x
topology: tpu7x:2x2x1
jax: 0.10.2.dev20260603
libtpu: 0.0.44.dev20260713+nightly
codegen_flags: <defaults>
</compile_context>

<pallas_src>
import functools

import jax
import jax.numpy as jnp
from jax import lax
from jax.experimental import pallas as pl
from jax.experimental.pallas import tpu as pltpu
from jax.experimental.pallas import tpu_sc as plsc


def _make_lookup(batch: int):
    info = plsc.get_sparse_core_info()
    ncores = 1
    nw = ncores * info.num_subcores
    b_per_w = batch // nw
    mesh = plsc.VectorSubcoreMesh(
        core_axis_name="c", subcore_axis_name="s", num_cores=ncores
    )

    nchunk = 8
    cs = b_per_w // nchunk

    @functools.partial(
        pl.kernel,
        mesh=mesh,
        out_type=jax.ShapeDtypeStruct((batch,), jnp.int32),
        scratch_types=[
            pltpu.VMEM((b_per_w,), jnp.int32),
            pltpu.VMEM((b_per_w,), jnp.int32),
        ]
        + [pltpu.SemaphoreType.DMA] * (3 * nchunk),
    )
    def lookup(uis_hbm, values_hbm, out_hbm, idx_v, rows_v, *sems):
        wid = lax.axis_index("s") * ncores + lax.axis_index("c")
        base = wid * b_per_w
        isem, gsem, ssem = sems[:nchunk], sems[nchunk : 2 * nchunk], sems[2 * nchunk :]
        idx_cp = [
            pltpu.async_copy(
                uis_hbm.at[pl.ds(base + j * cs, cs)],
                idx_v.at[pl.ds(j * cs, cs)],
                isem[j],
            )
            for j in range(nchunk)
        ]
        gathers = []
        for j in range(nchunk):
            idx_cp[j].wait()
            gathers.append(
                pltpu.async_copy(
                    values_hbm.at[idx_v.at[pl.ds(j * cs, cs)]],
                    rows_v.at[pl.ds(j * cs, cs)],
                    gsem[j],
                )
            )
        stores = []
        for j in range(nchunk):
            gathers[j].wait()
            stores.append(
                pltpu.async_copy(
                    rows_v.at[pl.ds(j * cs, cs)],
                    out_hbm.at[pl.ds(base + j * cs, cs)],
                    ssem[j],
                )
            )
        for j in range(nchunk):
            stores[j].wait()

    return lookup


def kernel(uis, values):
    flat = jnp.reshape(uis, (-1,))
    out = _make_lookup(flat.shape[0])(flat, values)
    return jnp.reshape(out, (-1, 1))

# --- scband reference (transcript-rebuilt; emitter-appended) ---
"""Pipeline reference for scband-lookup-ids-26654567039053 (READ-ONLY COPY).

The authoritative reference and input builder live on the scoring server;
editing this copy changes nothing except your own understanding.
"""

import jax, jax.numpy as jnp
import numpy as np

VOCAB = 100000
BATCH = 16384

def setup_inputs(seed: int = 0) -> dict:
    key = jax.random.key(seed)
    k1, k2 = jax.random.split(key)
    # uis: pre-hashed integer key ids standing in for the original tf.string keys
    uis = jax.random.randint(k1, (BATCH,), 0, VOCAB, dtype=jnp.int32)
    # StaticHashTable values: key-id -> journal id (int32). Default value is 0 for misses.
    values = jax.random.randint(k2, (VOCAB,), 0, VOCAB, dtype=jnp.int32)
    return {"uis": uis, "values": values}

def reference(uis, values):
    # Faithful translation of LookupIds.call:
    #   uis = tf.reshape(uis, [-1]); ids = table.lookup(uis); ids = tf.reshape(ids, [-1, 1])
    flat = jnp.reshape(uis, (-1,))
    # StaticHashTable semantics: missing keys map to default_value=0
    in_range = (flat >= 0) & (flat < values.shape[0])
    safe = jnp.clip(flat, 0, values.shape[0] - 1)
    ids = jnp.where(in_range, jnp.take(values, safe, axis=0), jnp.int32(0))
    return jnp.reshape(ids, (-1, 1))

if __name__ == "__main__":
    import jax
    _d = setup_inputs()
    print(jax.jit(kernel)(*tuple(_d.values())))

</pallas_src>

<mosaic_0001>
#map = affine_map<(d0, d1) -> (0)>
module attributes {stable_mosaic.version = 14 : i64} {
  func.func @lookup(%arg0: i32, %arg1: i32, %arg2: memref<16384xi32, #tpu.memory_space<hbm>>, %arg3: memref<100000xi32, #tpu.memory_space<hbm>>, %arg4: memref<16384xi32, #tpu.memory_space<hbm>>, %arg5: memref<1024xi32, #tpu.memory_space<vmem>>, %arg6: memref<1024xi32, #tpu.memory_space<vmem>>, %arg7: memref<!tpu.dma_semaphore, #tpu.memory_space<semaphore_mem>>, %arg8: memref<!tpu.dma_semaphore, #tpu.memory_space<semaphore_mem>>, %arg9: memref<!tpu.dma_semaphore, #tpu.memory_space<semaphore_mem>>, %arg10: memref<!tpu.dma_semaphore, #tpu.memory_space<semaphore_mem>>, %arg11: memref<!tpu.dma_semaphore, #tpu.memory_space<semaphore_mem>>, %arg12: memref<!tpu.dma_semaphore, #tpu.memory_space<semaphore_mem>>, %arg13: memref<!tpu.dma_semaphore, #tpu.memory_space<semaphore_mem>>, %arg14: memref<!tpu.dma_semaphore, #tpu.memory_space<semaphore_mem>>, %arg15: memref<!tpu.dma_semaphore, #tpu.memory_space<semaphore_mem>>, %arg16: memref<!tpu.dma_semaphore, #tpu.memory_space<semaphore_mem>>, %arg17: memref<!tpu.dma_semaphore, #tpu.memory_space<semaphore_mem>>, %arg18: memref<!tpu.dma_semaphore, #tpu.memory_space<semaphore_mem>>, %arg19: memref<!tpu.dma_semaphore, #tpu.memory_space<semaphore_mem>>, %arg20: memref<!tpu.dma_semaphore, #tpu.memory_space<semaphore_mem>>, %arg21: memref<!tpu.dma_semaphore, #tpu.memory_space<semaphore_mem>>, %arg22: memref<!tpu.dma_semaphore, #tpu.memory_space<semaphore_mem>>, %arg23: memref<!tpu.dma_semaphore, #tpu.memory_space<semaphore_mem>>, %arg24: memref<!tpu.dma_semaphore, #tpu.memory_space<semaphore_mem>>, %arg25: memref<!tpu.dma_semaphore, #tpu.memory_space<semaphore_mem>>, %arg26: memref<!tpu.dma_semaphore, #tpu.memory_space<semaphore_mem>>, %arg27: memref<!tpu.dma_semaphore, #tpu.memory_space<semaphore_mem>>, %arg28: memref<!tpu.dma_semaphore, #tpu.memory_space<semaphore_mem>>, %arg29: memref<!tpu.dma_semaphore, #tpu.memory_space<semaphore_mem>>, %arg30: memref<!tpu.dma_semaphore, #tpu.memory_space<semaphore_mem>>) attributes {dimension_semantics = [#tpu.dimension_semantics<core_parallel>, #tpu.dimension_semantics<subcore_parallel>], iteration_bounds = array<i64: 1, 16>, scalar_prefetch = 0 : i64, scratch_operands = 26 : i64, tpu.core_type = #tpu.core_type<sc_vector_subcore>, window_params = [{transform_indices = #map}, {transform_indices = #map}, {transform_indices = #map}]} {
    %mul3A = arith.constant 1 : i32
    %mul3A_0 = arith.muli %arg1, %mul3A : i32
    %add3A = arith.addi %mul3A_0, %arg0 : i32
    %mul3A_1 = arith.constant 1024 : i32
    %mul3A_2 = arith.muli %add3A, %mul3A_1 : i32
    %add3A_3 = arith.constant 0 : i32
    %add3A_4 = arith.addi %mul3A_2, %add3A_3 : i32
    %dma_start3A = arith.constant 0 : i32
    %dma_start3A_5 = tpu.memref_slice %arg5[%dma_start3A] : memref<1024xi32, #tpu.memory_space<vmem>> -> memref<128xi32, #tpu.memory_space<vmem>>
    %dma_start3A_6 = tpu.memref_slice %arg2[%add3A_4] : memref<16384xi32, #tpu.memory_space<hbm>> -> memref<128xi32, #tpu.memory_space<hbm>>
    %dma_start3A_7 = arith.constant 0 : i32
    %dma_start3A_8 = tpu.memref_slice %arg5[%dma_start3A_7] : memref<1024xi32, #tpu.memory_space<vmem>> -> memref<128xi32, #tpu.memory_space<vmem>>
    %dma_start3A_9 = tpu.memref_slice %arg2[%add3A_4] : memref<16384xi32, #tpu.memory_space<hbm>> -> memref<128xi32, #tpu.memory_space<hbm>>
    tpu.enqueue_dma source(%dma_start3A_9 : memref<128xi32, #tpu.memory_space<hbm>>) target(%dma_start3A_8 : memref<128xi32, #tpu.memory_space<vmem>>) target_semaphore(%arg7 : memref<!tpu.dma_semaphore, #tpu.memory_space<semaphore_mem>>)
    %add3A_10 = arith.constant 128 : i32
    %add3A_11 = arith.addi %mul3A_2, %add3A_10 : i32
    %dma_start3A_12 = arith.constant 128 : i32
    %dma_start3A_13 = tpu.memref_slice %arg5[%dma_start3A_12] : memref<1024xi32, #tpu.memory_space<vmem>> -> memref<128xi32, #tpu.memory_space<vmem>>
    %dma_start3A_14 = tpu.memref_slice %arg2[%add3A_11] : memref<16384xi32, #tpu.memory_space<hbm>> -> memref<128xi32, #tpu.memory_space<hbm>>
    %dma_start3A_15 = arith.constant 128 : i32
    %dma_start3A_16 = tpu.memref_slice %arg5[%dma_start3A_15] : memref<1024xi32, #tpu.memory_space<vmem>> -> memref<128xi32, #tpu.memory_space<vmem>>
    %dma_start3A_17 = tpu.memref_slice %arg2[%add3A_11] : memref<16384xi32, #tpu.memory_space<hbm>> -> memref<128xi32, #tpu.memory_space<hbm>>
    tpu.enqueue_dma source(%dma_start3A_17 : memref<128xi32, #tpu.memory_space<hbm>>) target(%dma_start3A_16 : memref<128xi32, #tpu.memory_space<vmem>>) target_semaphore(%arg8 : memref<!tpu.dma_semaphore, #tpu.memory_space<semaphore_mem>>)
    %add3A_18 = arith.constant 256 : i32
    %add3A_19 = arith.addi %mul3A_2, %add3A_18 : i32
    %dma_start3A_20 = arith.constant 256 : i32
    %dma_start3A_21 = tpu.memref_slice %arg5[%dma_start3A_20] : memref<1024xi32, #tpu.memory_space<vmem>> -> memref<128xi32, #tpu.memory_space<vmem>>
    %dma_start3A_22 = tpu.memref_slice %arg2[%add3A_19] : memref<16384xi32, #tpu.memory_space<hbm>> -> memref<128xi32, #tpu.memory_space<hbm>>
    %dma_start3A_23 = arith.constant 256 : i32
    %dma_start3A_24 = tpu.memref_slice %arg5[%dma_start3A_23] : memref<1024xi32, #tpu.memory_space<vmem>> -> memref<128xi32, #tpu.memory_space<vmem>>
    %dma_start3A_25 = tpu.memref_slice %arg2[%add3A_19] : memref<16384xi32, #tpu.memory_space<hbm>> -> memref<128xi32, #tpu.memory_space<hbm>>
    tpu.enqueue_dma source(%dma_start3A_25 : memref<128xi32, #tpu.memory_space<hbm>>) target(%dma_start3A_24 : memref<128xi32, #tpu.memory_space<vmem>>) target_semaphore(%arg9 : memref<!tpu.dma_semaphore, #tpu.memory_space<semaphore_mem>>)
    %add3A_26 = arith.constant 384 : i32
    %add3A_27 = arith.addi %mul3A_2, %add3A_26 : i32
    %dma_start3A_28 = arith.constant 384 : i32
    %dma_start3A_29 = tpu.memref_slice %arg5[%dma_start3A_28] : memref<1024xi32, #tpu.memory_space<vmem>> -> memref<128xi32, #tpu.memory_space<vmem>>
    %dma_start3A_30 = tpu.memref_slice %arg2[%add3A_27] : memref<16384xi32, #tpu.memory_space<hbm>> -> memref<128xi32, #tpu.memory_space<hbm>>
    %dma_start3A_31 = arith.constant 384 : i32
    %dma_start3A_32 = tpu.memref_slice %arg5[%dma_start3A_31] : memref<1024xi32, #tpu.memory_space<vmem>> -> memref<128xi32, #tpu.memory_space<vmem>>
    %dma_start3A_33 = tpu.memref_slice %arg2[%add3A_27] : memref<16384xi32, #tpu.memory_space<hbm>> -> memref<128xi32, #tpu.memory_space<hbm>>
    tpu.enqueue_dma source(%dma_start3A_33 : memref<128xi32, #tpu.memory_space<hbm>>) target(%dma_start3A_32 : memref<128xi32, #tpu.memory_space<vmem>>) target_semaphore(%arg10 : memref<!tpu.dma_semaphore, #tpu.memory_space<semaphore_mem>>)
    %add3A_34 = arith.constant 512 : i32
    %add3A_35 = arith.addi %mul3A_2, %add3A_34 : i32
    %dma_start3A_36 = arith.constant 512 : i32
    %dma_start3A_37 = tpu.memref_slice %arg5[%dma_start3A_36] : memref<1024xi32, #tpu.memory_space<vmem>> -> memref<128xi32, #tpu.memory_space<vmem>>
    %dma_start3A_38 = tpu.memref_slice %arg2[%add3A_35] : memref<16384xi32, #tpu.memory_space<hbm>> -> memref<128xi32, #tpu.memory_space<hbm>>
    %dma_start3A_39 = arith.constant 512 : i32
    %dma_start3A_40 = tpu.memref_slice %arg5[%dma_start3A_39] : memref<1024xi32, #tpu.memory_space<vmem>> -> memref<128xi32, #tpu.memory_space<vmem>>
    %dma_start3A_41 = tpu.memref_slice %arg2[%add3A_35] : memref<16384xi32, #tpu.memory_space<hbm>> -> memref<128xi32, #tpu.memory_space<hbm>>
    tpu.enqueue_dma source(%dma_start3A_41 : memref<128xi32, #tpu.memory_space<hbm>>) target(%dma_start3A_40 : memref<128xi32, #tpu.memory_space<vmem>>) target_semaphore(%arg11 : memref<!tpu.dma_semaphore, #tpu.memory_space<semaphore_mem>>)
    %add3A_42 = arith.constant 640 : i32
    %add3A_43 = arith.addi %mul3A_2, %add3A_42 : i32
    %dma_start3A_44 = arith.constant 640 : i32
    %dma_start3A_45 = tpu.memref_slice %arg5[%dma_start3A_44] : memref<1024xi32, #tpu.memory_space<vmem>> -> memref<128xi32, #tpu.memory_space<vmem>>
    %dma_start3A_46 = tpu.memref_slice %arg2[%add3A_43] : memref<16384xi32, #tpu.memory_space<hbm>> -> memref<128xi32, #tpu.memory_space<hbm>>
    %dma_start3A_47 = arith.constant 640 : i32
    %dma_start3A_48 = tpu.memref_slice %arg5[%dma_start3A_47] : memref<1024xi32, #tpu.memory_space<vmem>> -> memref<128xi32, #tpu.memory_space<vmem>>
    %dma_start3A_49 = tpu.memref_slice %arg2[%add3A_43] : memref<16384xi32, #tpu.memory_space<hbm>> -> memref<128xi32, #tpu.memory_space<hbm>>
    tpu.enqueue_dma source(%dma_start3A_49 : memref<128xi32, #tpu.memory_space<hbm>>) target(%dma_start3A_48 : memref<128xi32, #tpu.memory_space<vmem>>) target_semaphore(%arg12 : memref<!tpu.dma_semaphore, #tpu.memory_space<semaphore_mem>>)
    %add3A_50 = arith.constant 768 : i32
    %add3A_51 = arith.addi %mul3A_2, %add3A_50 : i32
    %dma_start3A_52 = arith.constant 768 : i32
    %dma_start3A_53 = tpu.memref_slice %arg5[%dma_start3A_52] : memref<1024xi32, #tpu.memory_space<vmem>> -> memref<128xi32, #tpu.memory_space<vmem>>
    %dma_start3A_54 = tpu.memref_slice %arg2[%add3A_51] : memref<16384xi32, #tpu.memory_space<hbm>> -> memref<128xi32, #tpu.memory_space<hbm>>
    %dma_start3A_55 = arith.constant 768 : i32
    %dma_start3A_56 = tpu.memref_slice %arg5[%dma_start3A_55] : memref<1024xi32, #tpu.memory_space<vmem>> -> memref<128xi32, #tpu.memory_space<vmem>>
    %dma_start3A_57 = tpu.memref_slice %arg2[%add3A_51] : memref<16384xi32, #tpu.memory_space<hbm>> -> memref<128xi32, #tpu.memory_space<hbm>>
    tpu.enqueue_dma source(%dma_start3A_57 : memref<128xi32, #tpu.memory_space<hbm>>) target(%dma_start3A_56 : memref<128xi32, #tpu.memory_space<vmem>>) target_semaphore(%arg13 : memref<!tpu.dma_semaphore, #tpu.memory_space<semaphore_mem>>)
    %add3A_58 = arith.constant 896 : i32
    %add3A_59 = arith.addi %mul3A_2, %add3A_58 : i32
    %dma_start3A_60 = arith.constant 896 : i32
    %dma_start3A_61 = tpu.memref_slice %arg5[%dma_start3A_60] : memref<1024xi32, #tpu.memory_space<vmem>> -> memref<128xi32, #tpu.memory_space<vmem>>
    %dma_start3A_62 = tpu.memref_slice %arg2[%add3A_59] : memref<16384xi32, #tpu.memory_space<hbm>> -> memref<128xi32, #tpu.memory_space<hbm>>
    %dma_start3A_63 = arith.constant 896 : i32
    %dma_start3A_64 = tpu.memref_slice %arg5[%dma_start3A_63] : memref<1024xi32, #tpu.memory_space<vmem>> -> memref<128xi32, #tpu.memory_space<vmem>>
    %dma_start3A_65 = tpu.memref_slice %arg2[%add3A_59] : memref<16384xi32, #tpu.memory_space<hbm>> -> memref<128xi32, #tpu.memory_space<hbm>>
    tpu.enqueue_dma source(%dma_start3A_65 : memref<128xi32, #tpu.memory_space<hbm>>) target(%dma_start3A_64 : memref<128xi32, #tpu.memory_space<vmem>>) target_semaphore(%arg14 : memref<!tpu.dma_semaphore, #tpu.memory_space<semaphore_mem>>)
    %dma_wait3A = arith.constant 0 : i32
    %dma_wait3A_66 = tpu.memref_slice %arg5[%dma_wait3A] : memref<1024xi32, #tpu.memory_space<vmem>> -> memref<128xi32, #tpu.memory_space<vmem>>
    %dma_wait3A_67 = tpu.memref_slice %arg2[%add3A_4] : memref<16384xi32, #tpu.memory_space<hbm>> -> memref<128xi32, #tpu.memory_space<hbm>>
    %dma_wait3A_68 = arith.constant 0 : i32
    %dma_wait3A_69 = tpu.memref_slice %arg5[%dma_wait3A_68] : memref<1024xi32, #tpu.memory_space<vmem>> -> memref<128xi32, #tpu.memory_space<vmem>>
    %dma_wait3A_70 = tpu.memref_slice %arg2[%add3A_4] : memref<16384xi32, #tpu.memory_space<hbm>> -> memref<128xi32, #tpu.memory_space<hbm>>
    tpu.wait_dma2 semaphore(%arg7 : memref<!tpu.dma_semaphore, #tpu.memory_space<semaphore_mem>>) src(%dma_wait3A_70 : memref<128xi32, #tpu.memory_space<hbm>>) dst(%dma_wait3A_69 : memref<128xi32, #tpu.memory_space<vmem>>)
    %dma_start3A_71 = arith.constant 0 : i32
    %dma_start3A_72 = tpu.memref_slice %arg6[%dma_start3A_71] : memref<1024xi32, #tpu.memory_space<vmem>> -> memref<128xi32, #tpu.memory_space<vmem>>
    %dma_start3A_73 = arith.constant 0 : i32
    %dma_start3A_74 = tpu.memref_slice %arg5[%dma_start3A_73] : memref<1024xi32, #tpu.memory_space<vmem>> -> memref<128xi32, #tpu.memory_space<vmem>>
    %dma_start3A_75 = arith.constant 0 : i32
    %dma_start3A_76 = tpu.memref_slice %arg3[%dma_start3A_75] : memref<100000xi32, #tpu.memory_space<hbm>> -> memref<100000xi32, #tpu.memory_space<hbm>>
    tpu.enqueue_indirect_dma source(%dma_start3A_76 : memref<100000xi32, #tpu.memory_space<hbm>>) target(%dma_start3A_72 : memref<128xi32, #tpu.memory_space<vmem>>) offsets(%dma_start3A_74 : memref<128xi32, #tpu.memory_space<vmem>>) semaphore(%arg15 : memref<!tpu.dma_semaphore, #tpu.memory_space<semaphore_mem>>)
    %dma_wait3A_77 = arith.constant 128 : i32
    %dma_wait3A_78 = tpu.memref_slice %arg5[%dma_wait3A_77] : memref<1024xi32, #tpu.memory_space<vmem>> -> memref<128xi32, #tpu.memory_space<vmem>>
    %dma_wait3A_79 = tpu.memref_slice %arg2[%add3A_11] : memref<16384xi32, #tpu.memory_space<hbm>> -> memref<128xi32, #tpu.memory_space<hbm>>
    %dma_wait3A_80 = arith.constant 128 : i32
    %dma_wait3A_81 = tpu.memref_slice %arg5[%dma_wait3A_80] : memref<1024xi32, #tpu.memory_space<vmem>> -> memref<128xi32, #tpu.memory_space<vmem>>
    %dma_wait3A_82 = tpu.memref_slice %arg2[%add3A_11] : memref<16384xi32, #tpu.memory_space<hbm>> -> memref<128xi32, #tpu.memory_space<hbm>>
    tpu.wait_dma2 semaphore(%arg8 : memref<!tpu.dma_semaphore, #tpu.memory_space<semaphore_mem>>) src(%dma_wait3A_82 : memref<128xi32, #tpu.memory_space<hbm>>) dst(%dma_wait3A_81 : memref<128xi32, #tpu.memory_space<vmem>>)
    %dma_start3A_83 = arith.constant 128 : i32
    %dma_start3A_84 = tpu.memref_slice %arg6[%dma_start3A_83] : memref<1024xi32, #tpu.memory_space<vmem>> -> memref<128xi32, #tpu.memory_space<vmem>>
    %dma_start3A_85 = arith.constant 128 : i32
    %dma_start3A_86 = tpu.memref_slice %arg5[%dma_start3A_85] : memref<1024xi32, #tpu.memory_space<vmem>> -> memref<128xi32, #tpu.memory_space<vmem>>
    %dma_start3A_87 = arith.constant 0 : i32
    %dma_start3A_88 = tpu.memref_slice %arg3[%dma_start3A_87] : memref<100000xi32, #tpu.memory_space<hbm>> -> memref<100000xi32, #tpu.memory_space<hbm>>
    tpu.enqueue_indirect_dma source(%dma_start3A_88 : memref<100000xi32, #tpu.memory_space<hbm>>) target(%dma_start3A_84 : memref<128xi32, #tpu.memory_space<vmem>>) offsets(%dma_start3A_86 : memref<128xi32, #tpu.memory_space<vmem>>) semaphore(%arg16 : memref<!tpu.dma_semaphore, #tpu.memory_space<semaphore_mem>>)
    %dma_wait3A_89 = arith.constant 256 : i32
    %dma_wait3A_90 = tpu.memref_slice %arg5[%dma_wait3A_89] : memref<1024xi32, #tpu.memory_space<vmem>> -> memref<128xi32, #tpu.memory_space<vmem>>
    %dma_wait3A_91 = tpu.memref_slice %arg2[%add3A_19] : memref<16384xi32, #tpu.memory_space<hbm>> -> memref<128xi32, #tpu.memory_space<hbm>>
    %dma_wait3A_92 = arith.constant 256 : i32
    %dma_wait3A_93 = tpu.memref_slice %arg5[%dma_wait3A_92] : memref<1024xi32, #tpu.memory_space<vmem>> -> memref<128xi32, #tpu.memory_space<vmem>>
    %dma_wait3A_94 = tpu.memref_slice %arg2[%add3A_19] : memref<16384xi32, #tpu.memory_space<hbm>> -> memref<128xi32, #tpu.memory_space<hbm>>
    tpu.wait_dma2 semaphore(%arg9 : memref<!tpu.dma_semaphore, #tpu.memory_space<semaphore_mem>>) src(%dma_wait3A_94 : memref<128xi32, #tpu.memory_space<hbm>>) dst(%dma_wait3A_93 : memref<128xi32, #tpu.memory_space<vmem>>)
    %dma_start3A_95 = arith.constant 256 : i32
    %dma_start3A_96 = tpu.memref_slice %arg6[%dma_start3A_95] : memref<1024xi32, #tpu.memory_space<vmem>> -> memref<128xi32, #tpu.memory_space<vmem>>
    %dma_start3A_97 = arith.constant 256 : i32
    %dma_start3A_98 = tpu.memref_slice %arg5[%dma_start3A_97] : memref<1024xi32, #tpu.memory_space<vmem>> -> memref<128xi32, #tpu.memory_space<vmem>>
    %dma_start3A_99 = arith.constant 0 : i32
    %dma_start3A_100 = tpu.memref_slice %arg3[%dma_start3A_99] : memref<100000xi32, #tpu.memory_space<hbm>> -> memref<100000xi32, #tpu.memory_space<hbm>>
    tpu.enqueue_indirect_dma source(%dma_start3A_100 : memref<100000xi32, #tpu.memory_space<hbm>>) target(%dma_start3A_96 : memref<128xi32, #tpu.memory_space<vmem>>) offsets(%dma_start3A_98 : memref<128xi32, #tpu.memory_space<vmem>>) semaphore(%arg17 : memref<!tpu.dma_semaphore, #tpu.memory_space<semaphore_mem>>)
    %dma_wait3A_101 = arith.constant 384 : i32
    %dma_wait3A_102 = tpu.memref_slice %arg5[%dma_wait3A_101] : memref<1024xi32, #tpu.memory_space<vmem>> -> memref<128xi32, #tpu.memory_space<vmem>>
    %dma_wait3A_103 = tpu.memref_slice %arg2[%add3A_27] : memref<16384xi32, #tpu.memory_space<hbm>> -> memref<128xi32, #tpu.memory_space<hbm>>
    %dma_wait3A_104 = arith.constant 384 : i32
    %dma_wait3A_105 = tpu.memref_slice %arg5[%dma_wait3A_104] : memref<1024xi32, #tpu.memory_space<vmem>> -> memref<128xi32, #tpu.memory_space<vmem>>
    %dma_wait3A_106 = tpu.memref_slice %arg2[%add3A_27] : memref<16384xi32, #tpu.memory_space<hbm>> -> memref<128xi32, #tpu.memory_space<hbm>>
    tpu.wait_dma2 semaphore(%arg10 : memref<!tpu.dma_semaphore, #tpu.memory_space<semaphore_mem>>) src(%dma_wait3A_106 : memref<128xi32, #tpu.memory_space<hbm>>) dst(%dma_wait3A_105 : memref<128xi32, #tpu.memory_space<vmem>>)
    %dma_start3A_107 = arith.constant 384 : i32
    %dma_start3A_108 = tpu.memref_slice %arg6[%dma_start3A_107] : memref<1024xi32, #tpu.memory_space<vmem>> -> memref<128xi32, #tpu.memory_space<vmem>>
    %dma_start3A_109 = arith.constant 384 : i32
    %dma_start3A_110 = tpu.memref_slice %arg5[%dma_start3A_109] : memref<1024xi32, #tpu.memory_space<vmem>> -> memref<128xi32, #tpu.memory_space<vmem>>
    %dma_start3A_111 = arith.constant 0 : i32
    %dma_start3A_112 = tpu.memref_slice %arg3[%dma_start3A_111] : memref<100000xi32, #tpu.memory_space<hbm>> -> memref<100000xi32, #tpu.memory_space<hbm>>
    tpu.enqueue_indirect_dma source(%dma_start3A_112 : memref<100000xi32, #tpu.memory_space<hbm>>) target(%dma_start3A_108 : memref<128xi32, #tpu.memory_space<vmem>>) offsets(%dma_start3A_110 : memref<128xi32, #tpu.memory_space<vmem>>) semaphore(%arg18 : memref<!tpu.dma_semaphore, #tpu.memory_space<semaphore_mem>>)
    %dma_wait3A_113 = arith.constant 512 : i32
    %dma_wait3A_114 = tpu.memref_slice %arg5[%dma_wait3A_113] : memref<1024xi32, #tpu.memory_space<vmem>> -> memref<128xi32, #tpu.memory_space<vmem>>
    %dma_wait3A_115 = tpu.memref_slice %arg2[%add3A_35] : memref<16384xi32, #tpu.memory_space<hbm>> -> memref<128xi32, #tpu.memory_space<hbm>>
    %dma_wait3A_116 = arith.constant 512 : i32
    %dma_wait3A_117 = tpu.memref_slice %arg5[%dma_wait3A_116] : memref<1024xi32, #tpu.memory_space<vmem>> -> memref<128xi32, #tpu.memory_space<vmem>>
    %dma_wait3A_118 = tpu.memref_slice %arg2[%add3A_35] : memref<16384xi32, #tpu.memory_space<hbm>> -> memref<128xi32, #tpu.memory_space<hbm>>
    tpu.wait_dma2 semaphore(%arg11 : memref<!tpu.dma_semaphore, #tpu.memory_space<semaphore_mem>>) src(%dma_wait3A_118 : memref<128xi32, #tpu.memory_space<hbm>>) dst(%dma_wait3A_117 : memref<128xi32, #tpu.memory_space<vmem>>)
    %dma_start3A_119 = arith.constant 512 : i32
    %dma_start3A_120 = tpu.memref_slice %arg6[%dma_start3A_119] : memref<1024xi32, #tpu.memory_space<vmem>> -> memref<128xi32, #tpu.memory_space<vmem>>
    %dma_start3A_121 = arith.constant 512 : i32
    %dma_start3A_122 = tpu.memref_slice %arg5[%dma_start3A_121] : memref<1024xi32, #tpu.memory_space<vmem>> -> memref<128xi32, #tpu.memory_space<vmem>>
    %dma_start3A_123 = arith.constant 0 : i32
    %dma_start3A_124 = tpu.memref_slice %arg3[%dma_start3A_123] : memref<100000xi32, #tpu.memory_space<hbm>> -> memref<100000xi32, #tpu.memory_space<hbm>>
    tpu.enqueue_indirect_dma source(%dma_start3A_124 : memref<100000xi32, #tpu.memory_space<hbm>>) target(%dma_start3A_120 : memref<128xi32, #tpu.memory_space<vmem>>) offsets(%dma_start3A_122 : memref<128xi32, #tpu.memory_space<vmem>>) semaphore(%arg19 : memref<!tpu.dma_semaphore, #tpu.memory_space<semaphore_mem>>)
    %dma_wait3A_125 = arith.constant 640 : i32
    %dma_wait3A_126 = tpu.memref_slice %arg5[%dma_wait3A_125] : memref<1024xi32, #tpu.memory_space<vmem>> -> memref<128xi32, #tpu.memory_space<vmem>>
    %dma_wait3A_127 = tpu.memref_slice %arg2[%add3A_43] : memref<16384xi32, #tpu.memory_space<hbm>> -> memref<128xi32, #tpu.memory_space<hbm>>
    %dma_wait3A_128 = arith.constant 640 : i32
    %dma_wait3A_129 = tpu.memref_slice %arg5[%dma_wait3A_128] : memref<1024xi32, #tpu.memory_space<vmem>> -> memref<128xi32, #tpu.memory_space<vmem>>
    %dma_wait3A_130 = tpu.memref_slice %arg2[%add3A_43] : memref<16384xi32, #tpu.memory_space<hbm>> -> memref<128xi32, #tpu.memory_space<hbm>>
    tpu.wait_dma2 semaphore(%arg12 : memref<!tpu.dma_semaphore, #tpu.memory_space<semaphore_mem>>) src(%dma_wait3A_130 : memref<128xi32, #tpu.memory_space<hbm>>) dst(%dma_wait3A_129 : memref<128xi32, #tpu.memory_space<vmem>>)
    %dma_start3A_131 = arith.constant 640 : i32
    %dma_start3A_132 = tpu.memref_slice %arg6[%dma_start3A_131] : memref<1024xi32, #tpu.memory_space<vmem>> -> memref<128xi32, #tpu.memory_space<vmem>>
    %dma_start3A_133 = arith.constant 640 : i32
    %dma_start3A_134 = tpu.memref_slice %arg5[%dma_start3A_133] : memref<1024xi32, #tpu.memory_space<vmem>> -> memref<128xi32, #tpu.memory_space<vmem>>
    %dma_start3A_135 = arith.constant 0 : i32
    %dma_start3A_136 = tpu.memref_slice %arg3[%dma_start3A_135] : memref<100000xi32, #tpu.memory_space<hbm>> -> memref<100000xi32, #tpu.memory_space<hbm>>
    tpu.enqueue_indirect_dma source(%dma_start3A_136 : memref<100000xi32, #tpu.memory_space<hbm>>) target(%dma_start3A_132 : memref<128xi32, #tpu.memory_space<vmem>>) offsets(%dma_start3A_134 : memref<128xi32, #tpu.memory_space<vmem>>) semaphore(%arg20 : memref<!tpu.dma_semaphore, #tpu.memory_space<semaphore_mem>>)
    %dma_wait3A_137 = arith.constant 768 : i32
    %dma_wait3A_138 = tpu.memref_slice %arg5[%dma_wait3A_137] : memref<1024xi32, #tpu.memory_space<vmem>> -> memref<128xi32, #tpu.memory_space<vmem>>
    %dma_wait3A_139 = tpu.memref_slice %arg2[%add3A_51] : memref<16384xi32, #tpu.memory_space<hbm>> -> memref<128xi32, #tpu.memory_space<hbm>>
    %dma_wait3A_140 = arith.constant 768 : i32
    %dma_wait3A_141 = tpu.memref_slice %arg5[%dma_wait3A_140] : memref<1024xi32, #tpu.memory_space<vmem>> -> memref<128xi32, #tpu.memory_space<vmem>>
    %dma_wait3A_142 = tpu.memref_slice %arg2[%add3A_51] : memref<16384xi32, #tpu.memory_space<hbm>> -> memref<128xi32, #tpu.memory_space<hbm>>
    tpu.wait_dma2 semaphore(%arg13 : memref<!tpu.dma_semaphore, #tpu.memory_space<semaphore_mem>>) src(%dma_wait3A_142 : memref<128xi32, #tpu.memory_space<hbm>>) dst(%dma_wait3A_141 : memref<128xi32, #tpu.memory_space<vmem>>)
    %dma_start3A_143 = arith.constant 768 : i32
    %dma_start3A_144 = tpu.memref_slice %arg6[%dma_start3A_143] : memref<1024xi32, #tpu.memory_space<vmem>> -> memref<128xi32, #tpu.memory_space<vmem>>
    %dma_start3A_145 = arith.constant 768 : i32
    %dma_start3A_146 = tpu.memref_slice %arg5[%dma_start3A_145] : memref<1024xi32, #tpu.memory_space<vmem>> -> memref<128xi32, #tpu.memory_space<vmem>>
    %dma_start3A_147 = arith.constant 0 : i32
    %dma_start3A_148 = tpu.memref_slice %arg3[%dma_start3A_147] : memref<100000xi32, #tpu.memory_space<hbm>> -> memref<100000xi32, #tpu.memory_space<hbm>>
    tpu.enqueue_indirect_dma source(%dma_start3A_148 : memref<100000xi32, #tpu.memory_space<hbm>>) target(%dma_start3A_144 : memref<128xi32, #tpu.memory_space<vmem>>) offsets(%dma_start3A_146 : memref<128xi32, #tpu.memory_space<vmem>>) semaphore(%arg21 : memref<!tpu.dma_semaphore, #tpu.memory_space<semaphore_mem>>)
    %dma_wait3A_149 = arith.constant 896 : i32
    %dma_wait3A_150 = tpu.memref_slice %arg5[%dma_wait3A_149] : memref<1024xi32, #tpu.memory_space<vmem>> -> memref<128xi32, #tpu.memory_space<vmem>>
    %dma_wait3A_151 = tpu.memref_slice %arg2[%add3A_59] : memref<16384xi32, #tpu.memory_space<hbm>> -> memref<128xi32, #tpu.memory_space<hbm>>
    %dma_wait3A_152 = arith.constant 896 : i32
    %dma_wait3A_153 = tpu.memref_slice %arg5[%dma_wait3A_152] : memref<1024xi32, #tpu.memory_space<vmem>> -> memref<128xi32, #tpu.memory_space<vmem>>
    %dma_wait3A_154 = tpu.memref_slice %arg2[%add3A_59] : memref<16384xi32, #tpu.memory_space<hbm>> -> memref<128xi32, #tpu.memory_space<hbm>>
    tpu.wait_dma2 semaphore(%arg14 : memref<!tpu.dma_semaphore, #tpu.memory_space<semaphore_mem>>) src(%dma_wait3A_154 : memref<128xi32, #tpu.memory_space<hbm>>) dst(%dma_wait3A_153 : memref<128xi32, #tpu.memory_space<vmem>>)
    %dma_start3A_155 = arith.constant 896 : i32
    %dma_start3A_156 = tpu.memref_slice %arg6[%dma_start3A_155] : memref<1024xi32, #tpu.memory_space<vmem>> -> memref<128xi32, #tpu.memory_space<vmem>>
    %dma_start3A_157 = arith.constant 896 : i32
    %dma_start3A_158 = tpu.memref_slice %arg5[%dma_start3A_157] : memref<1024xi32, #tpu.memory_space<vmem>> -> memref<128xi32, #tpu.memory_space<vmem>>
    %dma_start3A_159 = arith.constant 0 : i32
    %dma_start3A_160 = tpu.memref_slice %arg3[%dma_start3A_159] : memref<100000xi32, #tpu.memory_space<hbm>> -> memref<100000xi32, #tpu.memory_space<hbm>>
    tpu.enqueue_indirect_dma source(%dma_start3A_160 : memref<100000xi32, #tpu.memory_space<hbm>>) target(%dma_start3A_156 : memref<128xi32, #tpu.memory_space<vmem>>) offsets(%dma_start3A_158 : memref<128xi32, #tpu.memory_space<vmem>>) semaphore(%arg22 : memref<!tpu.dma_semaphore, #tpu.memory_space<semaphore_mem>>)
    %dma_wait3A_161 = arith.constant 0 : i32
    %dma_wait3A_162 = tpu.memref_slice %arg6[%dma_wait3A_161] : memref<1024xi32, #tpu.memory_space<vmem>> -> memref<128xi32, #tpu.memory_space<vmem>>
    %dma_wait3A_163 = arith.constant 0 : i32
    %dma_wait3A_164 = tpu.memref_slice %arg5[%dma_wait3A_163] : memref<1024xi32, #tpu.memory_space<vmem>> -> memref<128xi32, #tpu.memory_space<vmem>>
    %dma_wait3A_165 = arith.constant 0 : i32
    %dma_wait3A_166 = tpu.memref_slice %arg3[%dma_wait3A_165] : memref<100000xi32, #tpu.memory_space<hbm>> -> memref<100000xi32, #tpu.memory_space<hbm>>
    tpu.wait_indirect_dma semaphore(%arg15 : memref<!tpu.dma_semaphore, #tpu.memory_space<semaphore_mem>>) src(%dma_wait3A_166 : memref<100000xi32, #tpu.memory_space<hbm>>) dst(%dma_wait3A_162 : memref<128xi32, #tpu.memory_space<vmem>>)
    %add3A_167 = arith.constant 0 : i32
    %add3A_168 = arith.addi %mul3A_2, %add3A_167 : i32
    %dma_start3A_169 = arith.constant 0 : i32
    %dma_start3A_170 = tpu.memref_slice %arg6[%dma_start3A_169] : memref<1024xi32, #tpu.memory_space<vmem>> -> memref<128xi32, #tpu.memory_space<vmem>>
    %dma_start3A_171 = tpu.memref_slice %arg4[%add3A_168] : memref<16384xi32, #tpu.memory_space<hbm>> -> memref<128xi32, #tpu.memory_space<hbm>>
    %dma_start3A_172 = tpu.memref_slice %arg4[%add3A_168] : memref<16384xi32, #tpu.memory_space<hbm>> -> memref<128xi32, #tpu.memory_space<hbm>>
    %dma_start3A_173 = arith.constant 0 : i32
    %dma_start3A_174 = tpu.memref_slice %arg6[%dma_start3A_173] : memref<1024xi32, #tpu.memory_space<vmem>> -> memref<128xi32, #tpu.memory_space<vmem>>
    tpu.enqueue_dma source(%dma_start3A_174 : memref<128xi32, #tpu.memory_space<vmem>>) target(%dma_start3A_172 : memref<128xi32, #tpu.memory_space<hbm>>) target_semaphore(%arg23 : memref<!tpu.dma_semaphore, #tpu.memory_space<semaphore_mem>>)
    %dma_wait3A_175 = arith.constant 128 : i32
    %dma_wait3A_176 = tpu.memref_slice %arg6[%dma_wait3A_175] : memref<1024xi32, #tpu.memory_space<vmem>> -> memref<128xi32, #tpu.memory_space<vmem>>
    %dma_wait3A_177 = arith.constant 128 : i32
    %dma_wait3A_178 = tpu.memref_slice %arg5[%dma_wait3A_177] : memref<1024xi32, #tpu.memory_space<vmem>> -> memref<128xi32, #tpu.memory_space<vmem>>
    %dma_wait3A_179 = arith.constant 0 : i32
    %dma_wait3A_180 = tpu.memref_slice %arg3[%dma_wait3A_179] : memref<100000xi32, #tpu.memory_space<hbm>> -> memref<100000xi32, #tpu.memory_space<hbm>>
    tpu.wait_indirect_dma semaphore(%arg16 : memref<!tpu.dma_semaphore, #tpu.memory_space<semaphore_mem>>) src(%dma_wait3A_180 : memref<100000xi32, #tpu.memory_space<hbm>>) dst(%dma_wait3A_176 : memref<128xi32, #tpu.memory_space<vmem>>)
    %add3A_181 = arith.constant 128 : i32
    %add3A_182 = arith.addi %mul3A_2, %add3A_181 : i32
    %dma_start3A_183 = arith.constant 128 : i32
    %dma_start3A_184 = tpu.memref_slice %arg6[%dma_start3A_183] : memref<1024xi32, #tpu.memory_space<vmem>> -> memref<128xi32, #tpu.memory_space<vmem>>
    %dma_start3A_185 = tpu.memref_slice %arg4[%add3A_182] : memref<16384xi32, #tpu.memory_space<hbm>> -> memref<128xi32, #tpu.memory_space<hbm>>
    %dma_start3A_186 = tpu.memref_slice %arg4[%add3A_182] : memref<16384xi32, #tpu.memory_space<hbm>> -> memref<128xi32, #tpu.memory_space<hbm>>
    %dma_start3A_187 = arith.constant 128 : i32
    %dma_start3A_188 = tpu.memref_slice %arg6[%dma_start3A_187] : memref<1024xi32, #tpu.memory_space<vmem>> -> memref<128xi32, #tpu.memory_space<vmem>>
    tpu.enqueue_dma source(%dma_start3A_188 : memref<128xi32, #tpu.memory_space<vmem>>) target(%dma_start3A_186 : memref<128xi32, #tpu.memory_space<hbm>>) target_semaphore(%arg24 : memref<!tpu.dma_semaphore, #tpu.memory_space<semaphore_mem>>)
    %dma_wait3A_189 = arith.constant 256 : i32
    %dma_wait3A_190 = tpu.memref_slice %arg6[%dma_wait3A_189] : memref<1024xi32, #tpu.memory_space<vmem>> -> memref<128xi32, #tpu.memory_space<vmem>>
    %dma_wait3A_191 = arith.constant 256 : i32
    %dma_wait3A_192 = tpu.memref_slice %arg5[%dma_wait3A_191] : memref<1024xi32, #tpu.memory_space<vmem>> -> memref<128xi32, #tpu.memory_space<vmem>>
    %dma_wait3A_193 = arith.constant 0 : i32
    %dma_wait3A_194 = tpu.memref_slice %arg3[%dma_wait3A_193] : memref<100000xi32, #tpu.memory_space<hbm>> -> memref<100000xi32, #tpu.memory_space<hbm>>
    tpu.wait_indirect_dma semaphore(%arg17 : memref<!tpu.dma_semaphore, #tpu.memory_space<semaphore_mem>>) src(%dma_wait3A_194 : memref<100000xi32, #tpu.memory_space<hbm>>) dst(%dma_wait3A_190 : memref<128xi32, #tpu.memory_space<vmem>>)
    %add3A_195 = arith.constant 256 : i32
    %add3A_196 = arith.addi %mul3A_2, %add3A_195 : i32
    %dma_start3A_197 = arith.constant 256 : i32
    %dma_start3A_198 = tpu.memref_slice %arg6[%dma_start3A_197] : memref<1024xi32, #tpu.memory_space<vmem>> -> memref<128xi32, #tpu.memory_space<vmem>>
    %dma_start3A_199 = tpu.memref_slice %arg4[%add3A_196] : memref<16384xi32, #tpu.memory_space<hbm>> -> memref<128xi32, #tpu.memory_space<hbm>>
    %dma_start3A_200 = tpu.memref_slice %arg4[%add3A_196] : memref<16384xi32, #tpu.memory_space<hbm>> -> memref<128xi32, #tpu.memory_space<hbm>>
    %dma_start3A_201 = arith.constant 256 : i32
    %dma_start3A_202 = tpu.memref_slice %arg6[%dma_start3A_201] : memref<1024xi32, #tpu.memory_space<vmem>> -> memref<128xi32, #tpu.memory_space<vmem>>
    tpu.enqueue_dma source(%dma_start3A_202 : memref<128xi32, #tpu.memory_space<vmem>>) target(%dma_start3A_200 : memref<128xi32, #tpu.memory_space<hbm>>) target_semaphore(%arg25 : memref<!tpu.dma_semaphore, #tpu.memory_space<semaphore_mem>>)
    %dma_wait3A_203 = arith.constant 384 : i32
    %dma_wait3A_204 = tpu.memref_slice %arg6[%dma_wait3A_203] : memref<1024xi32, #tpu.memory_space<vmem>> -> memref<128xi32, #tpu.memory_space<vmem>>
    %dma_wait3A_205 = arith.constant 384 : i32
    %dma_wait3A_206 = tpu.memref_slice %arg5[%dma_wait3A_205] : memref<1024xi32, #tpu.memory_space<vmem>> -> memref<128xi32, #tpu.memory_space<vmem>>
    %dma_wait3A_207 = arith.constant 0 : i32
    %dma_wait3A_208 = tpu.memref_slice %arg3[%dma_wait3A_207] : memref<100000xi32, #tpu.memory_space<hbm>> -> memref<100000xi32, #tpu.memory_space<hbm>>
    tpu.wait_indirect_dma semaphore(%arg18 : memref<!tpu.dma_semaphore, #tpu.memory_space<semaphore_mem>>) src(%dma_wait3A_208 : memref<100000xi32, #tpu.memory_space<hbm>>) dst(%dma_wait3A_204 : memref<128xi32, #tpu.memory_space<vmem>>)
    %add3A_209 = arith.constant 384 : i32
    %add3A_210 = arith.addi %mul3A_2, %add3A_209 : i32
    %dma_start3A_211 = arith.constant 384 : i32
    %dma_start3A_212 = tpu.memref_slice %arg6[%dma_start3A_211] : memref<1024xi32, #tpu.memory_space<vmem>> -> memref<128xi32, #tpu.memory_space<vmem>>
    %dma_start3A_213 = tpu.memref_slice %arg4[%add3A_210] : memref<16384xi32, #tpu.memory_space<hbm>> -> memref<128xi32, #tpu.memory_space<hbm>>
    %dma_start3A_214 = tpu.memref_slice %arg4[%add3A_210] : memref<16384xi32, #tpu.memory_space<hbm>> -> memref<128xi32, #tpu.memory_space<hbm>>
    %dma_start3A_215 = arith.constant 384 : i32
    %dma_start3A_216 = tpu.memref_slice %arg6[%dma_start3A_215] : memref<1024xi32, #tpu.memory_space<vmem>> -> memref<128xi32, #tpu.memory_space<vmem>>
    tpu.enqueue_dma source(%dma_start3A_216 : memref<128xi32, #tpu.memory_space<vmem>>) target(%dma_start3A_214 : memref<128xi32, #tpu.memory_space<hbm>>) target_semaphore(%arg26 : memref<!tpu.dma_semaphore, #tpu.memory_space<semaphore_mem>>)
    %dma_wait3A_217 = arith.constant 512 : i32
    %dma_wait3A_218 = tpu.memref_slice %arg6[%dma_wait3A_217] : memref<1024xi32, #tpu.memory_space<vmem>> -> memref<128xi32, #tpu.memory_space<vmem>>
    %dma_wait3A_219 = arith.constant 512 : i32
    %dma_wait3A_220 = tpu.memref_slice %arg5[%dma_wait3A_219] : memref<1024xi32, #tpu.memory_space<vmem>> -> memref<128xi32, #tpu.memory_space<vmem>>
    %dma_wait3A_221 = arith.constant 0 : i32
    %dma_wait3A_222 = tpu.memref_slice %arg3[%dma_wait3A_221] : memref<100000xi32, #tpu.memory_space<hbm>> -> memref<100000xi32, #tpu.memory_space<hbm>>
    tpu.wait_indirect_dma semaphore(%arg19 : memref<!tpu.dma_semaphore, #tpu.memory_space<semaphore_mem>>) src(%dma_wait3A_222 : memref<100000xi32, #tpu.memory_space<hbm>>) dst(%dma_wait3A_218 : memref<128xi32, #tpu.memory_space<vmem>>)
    %add3A_223 = arith.constant 512 : i32
    %add3A_224 = arith.addi %mul3A_2, %add3A_223 : i32
    %dma_start3A_225 = arith.constant 512 : i32
    %dma_start3A_226 = tpu.memref_slice %arg6[%dma_start3A_225] : memref<1024xi32, #tpu.memory_space<vmem>> -> memref<128xi32, #tpu.memory_space<vmem>>
    %dma_start3A_227 = tpu.memref_slice %arg4[%add3A_224] : memref<16384xi32, #tpu.memory_space<hbm>> -> memref<128xi32, #tpu.memory_space<hbm>>
    %dma_start3A_228 = tpu.memref_slice %arg4[%add3A_224] : memref<16384xi32, #tpu.memory_space<hbm>> -> memref<128xi32, #tpu.memory_space<hbm>>
    %dma_start3A_229 = arith.constant 512 : i32
    %dma_start3A_230 = tpu.memref_slice %arg6[%dma_start3A_229] : memref<1024xi32, #tpu.memory_space<vmem>> -> memref<128xi32, #tpu.memory_space<vmem>>
    tpu.enqueue_dma source(%dma_start3A_230 : memref<128xi32, #tpu.memory_space<vmem>>) target(%dma_start3A_228 : memref<128xi32, #tpu.memory_space<hbm>>) target_semaphore(%arg27 : memref<!tpu.dma_semaphore, #tpu.memory_space<semaphore_mem>>)
    %dma_wait3A_231 = arith.constant 640 : i32
    %dma_wait3A_232 = tpu.memref_slice %arg6[%dma_wait3A_231] : memref<1024xi32, #tpu.memory_space<vmem>> -> memref<128xi32, #tpu.memory_space<vmem>>
    %dma_wait3A_233 = arith.constant 640 : i32
    %dma_wait3A_234 = tpu.memref_slice %arg5[%dma_wait3A_233] : memref<1024xi32, #tpu.memory_space<vmem>> -> memref<128xi32, #tpu.memory_space<vmem>>
    %dma_wait3A_235 = arith.constant 0 : i32
    %dma_wait3A_236 = tpu.memref_slice %arg3[%dma_wait3A_235] : memref<100000xi32, #tpu.memory_space<hbm>> -> memref<100000xi32, #tpu.memory_space<hbm>>
    tpu.wait_indirect_dma semaphore(%arg20 : memref<!tpu.dma_semaphore, #tpu.memory_space<semaphore_mem>>) src(%dma_wait3A_236 : memref<100000xi32, #tpu.memory_space<hbm>>) dst(%dma_wait3A_232 : memref<128xi32, #tpu.memory_space<vmem>>)
    %add3A_237 = arith.constant 640 : i32
    %add3A_238 = arith.addi %mul3A_2, %add3A_237 : i32
    %dma_start3A_239 = arith.constant 640 : i32
    %dma_start3A_240 = tpu.memref_slice %arg6[%dma_start3A_239] : memref<1024xi32, #tpu.memory_space<vmem>> -> memref<128xi32, #tpu.memory_space<vmem>>
    %dma_start3A_241 = tpu.memref_slice %arg4[%add3A_238] : memref<16384xi32, #tpu.memory_space<hbm>> -> memref<128xi32, #tpu.memory_space<hbm>>
    %dma_start3A_242 = tpu.memref_slice %arg4[%add3A_238] : memref<16384xi32, #tpu.memory_space<hbm>> -> memref<128xi32, #tpu.memory_space<hbm>>
    %dma_start3A_243 = arith.constant 640 : i32
    %dma_start3A_244 = tpu.memref_slice %arg6[%dma_start3A_243] : memref<1024xi32, #tpu.memory_space<vmem>> -> memref<128xi32, #tpu.memory_space<vmem>>
    tpu.enqueue_dma source(%dma_start3A_244 : memref<128xi32, #tpu.memory_space<vmem>>) target(%dma_start3A_242 : memref<128xi32, #tpu.memory_space<hbm>>) target_semaphore(%arg28 : memref<!tpu.dma_semaphore, #tpu.memory_space<semaphore_mem>>)
    %dma_wait3A_245 = arith.constant 768 : i32
    %dma_wait3A_246 = tpu.memref_slice %arg6[%dma_wait3A_245] : memref<1024xi32, #tpu.memory_space<vmem>> -> memref<128xi32, #tpu.memory_space<vmem>>
    %dma_wait3A_247 = arith.constant 768 : i32
    %dma_wait3A_248 = tpu.memref_slice %arg5[%dma_wait3A_247] : memref<1024xi32, #tpu.memory_space<vmem>> -> memref<128xi32, #tpu.memory_space<vmem>>
    %dma_wait3A_249 = arith.constant 0 : i32
    %dma_wait3A_250 = tpu.memref_slice %arg3[%dma_wait3A_249] : memref<100000xi32, #tpu.memory_space<hbm>> -> memref<100000xi32, #tpu.memory_space<hbm>>
    tpu.wait_indirect_dma semaphore(%arg21 : memref<!tpu.dma_semaphore, #tpu.memory_space<semaphore_mem>>) src(%dma_wait3A_250 : memref<100000xi32, #tpu.memory_space<hbm>>) dst(%dma_wait3A_246 : memref<128xi32, #tpu.memory_space<vmem>>)
    %add3A_251 = arith.constant 768 : i32
    %add3A_252 = arith.addi %mul3A_2, %add3A_251 : i32
    %dma_start3A_253 = arith.constant 768 : i32
    %dma_start3A_254 = tpu.memref_slice %arg6[%dma_start3A_253] : memref<1024xi32, #tpu.memory_space<vmem>> -> memref<128xi32, #tpu.memory_space<vmem>>
    %dma_start3A_255 = tpu.memref_slice %arg4[%add3A_252] : memref<16384xi32, #tpu.memory_space<hbm>> -> memref<128xi32, #tpu.memory_space<hbm>>
    %dma_start3A_256 = tpu.memref_slice %arg4[%add3A_252] : memref<16384xi32, #tpu.memory_space<hbm>> -> memref<128xi32, #tpu.memory_space<hbm>>
    %dma_start3A_257 = arith.constant 768 : i32
    %dma_start3A_258 = tpu.memref_slice %arg6[%dma_start3A_257] : memref<1024xi32, #tpu.memory_space<vmem>> -> memref<128xi32, #tpu.memory_space<vmem>>
    tpu.enqueue_dma source(%dma_start3A_258 : memref<128xi32, #tpu.memory_space<vmem>>) target(%dma_start3A_256 : memref<128xi32, #tpu.memory_space<hbm>>) target_semaphore(%arg29 : memref<!tpu.dma_semaphore, #tpu.memory_space<semaphore_mem>>)
    %dma_wait3A_259 = arith.constant 896 : i32
    %dma_wait3A_260 = tpu.memref_slice %arg6[%dma_wait3A_259] : memref<1024xi32, #tpu.memory_space<vmem>> -> memref<128xi32, #tpu.memory_space<vmem>>
    %dma_wait3A_261 = arith.constant 896 : i32
    %dma_wait3A_262 = tpu.memref_slice %arg5[%dma_wait3A_261] : memref<1024xi32, #tpu.memory_space<vmem>> -> memref<128xi32, #tpu.memory_space<vmem>>
    %dma_wait3A_263 = arith.constant 0 : i32
    %dma_wait3A_264 = tpu.memref_slice %arg3[%dma_wait3A_263] : memref<100000xi32, #tpu.memory_space<hbm>> -> memref<100000xi32, #tpu.memory_space<hbm>>
    tpu.wait_indirect_dma semaphore(%arg22 : memref<!tpu.dma_semaphore, #tpu.memory_space<semaphore_mem>>) src(%dma_wait3A_264 : memref<100000xi32, #tpu.memory_space<hbm>>) dst(%dma_wait3A_260 : memref<128xi32, #tpu.memory_space<vmem>>)
    %add3A_265 = arith.constant 896 : i32
    %add3A_266 = arith.addi %mul3A_2, %add3A_265 : i32
    %dma_start3A_267 = arith.constant 896 : i32
    %dma_start3A_268 = tpu.memref_slice %arg6[%dma_start3A_267] : memref<1024xi32, #tpu.memory_space<vmem>> -> memref<128xi32, #tpu.memory_space<vmem>>
    %dma_start3A_269 = tpu.memref_slice %arg4[%add3A_266] : memref<16384xi32, #tpu.memory_space<hbm>> -> memref<128xi32, #tpu.memory_space<hbm>>
    %dma_start3A_270 = tpu.memref_slice %arg4[%add3A_266] : memref<16384xi32, #tpu.memory_space<hbm>> -> memref<128xi32, #tpu.memory_space<hbm>>
    %dma_start3A_271 = arith.constant 896 : i32
    %dma_start3A_272 = tpu.memref_slice %arg6[%dma_start3A_271] : memref<1024xi32, #tpu.memory_space<vmem>> -> memref<128xi32, #tpu.memory_space<vmem>>
    tpu.enqueue_dma source(%dma_start3A_272 : memref<128xi32, #tpu.memory_space<vmem>>) target(%dma_start3A_270 : memref<128xi32, #tpu.memory_space<hbm>>) target_semaphore(%arg30 : memref<!tpu.dma_semaphore, #tpu.memory_space<semaphore_mem>>)
    %dma_wait3A_273 = arith.constant 0 : i32
    %dma_wait3A_274 = tpu.memref_slice %arg6[%dma_wait3A_273] : memref<1024xi32, #tpu.memory_space<vmem>> -> memref<128xi32, #tpu.memory_space<vmem>>
    %dma_wait3A_275 = tpu.memref_slice %arg4[%add3A_168] : memref<16384xi32, #tpu.memory_space<hbm>> -> memref<128xi32, #tpu.memory_space<hbm>>
    %dma_wait3A_276 = tpu.memref_slice %arg4[%add3A_168] : memref<16384xi32, #tpu.memory_space<hbm>> -> memref<128xi32, #tpu.memory_space<hbm>>
    %dma_wait3A_277 = arith.constant 0 : i32
    %dma_wait3A_278 = tpu.memref_slice %arg6[%dma_wait3A_277] : memref<1024xi32, #tpu.memory_space<vmem>> -> memref<128xi32, #tpu.memory_space<vmem>>
    tpu.wait_dma2 semaphore(%arg23 : memref<!tpu.dma_semaphore, #tpu.memory_space<semaphore_mem>>) src(%dma_wait3A_278 : memref<128xi32, #tpu.memory_space<vmem>>) dst(%dma_wait3A_276 : memref<128xi32, #tpu.memory_space<hbm>>)
    %dma_wait3A_279 = arith.constant 128 : i32
    %dma_wait3A_280 = tpu.memref_slice %arg6[%dma_wait3A_279] : memref<1024xi32, #tpu.memory_space<vmem>> -> memref<128xi32, #tpu.memory_space<vmem>>
    %dma_wait3A_281 = tpu.memref_slice %arg4[%add3A_182] : memref<16384xi32, #tpu.memory_space<hbm>> -> memref<128xi32, #tpu.memory_space<hbm>>
    %dma_wait3A_282 = tpu.memref_slice %arg4[%add3A_182] : memref<16384xi32, #tpu.memory_space<hbm>> -> memref<128xi32, #tpu.memory_space<hbm>>
    %dma_wait3A_283 = arith.constant 128 : i32
    %dma_wait3A_284 = tpu.memref_slice %arg6[%dma_wait3A_283] : memref<1024xi32, #tpu.memory_space<vmem>> -> memref<128xi32, #tpu.memory_space<vmem>>
    tpu.wait_dma2 semaphore(%arg24 : memref<!tpu.dma_semaphore, #tpu.memory_space<semaphore_mem>>) src(%dma_wait3A_284 : memref<128xi32, #tpu.memory_space<vmem>>) dst(%dma_wait3A_282 : memref<128xi32, #tpu.memory_space<hbm>>)
    %dma_wait3A_285 = arith.constant 256 : i32
    %dma_wait3A_286 = tpu.memref_slice %arg6[%dma_wait3A_285] : memref<1024xi32, #tpu.memory_space<vmem>> -> memref<128xi32, #tpu.memory_space<vmem>>
    %dma_wait3A_287 = tpu.memref_slice %arg4[%add3A_196] : memref<16384xi32, #tpu.memory_space<hbm>> -> memref<128xi32, #tpu.memory_space<hbm>>
    %dma_wait3A_288 = tpu.memref_slice %arg4[%add3A_196] : memref<16384xi32, #tpu.memory_space<hbm>> -> memref<128xi32, #tpu.memory_space<hbm>>
    %dma_wait3A_289 = arith.constant 256 : i32
    %dma_wait3A_290 = tpu.memref_slice %arg6[%dma_wait3A_289] : memref<1024xi32, #tpu.memory_space<vmem>> -> memref<128xi32, #tpu.memory_space<vmem>>
    tpu.wait_dma2 semaphore(%arg25 : memref<!tpu.dma_semaphore, #tpu.memory_space<semaphore_mem>>) src(%dma_wait3A_290 : memref<128xi32, #tpu.memory_space<vmem>>) dst(%dma_wait3A_288 : memref<128xi32, #tpu.memory_space<hbm>>)
    %dma_wait3A_291 = arith.constant 384 : i32
    %dma_wait3A_292 = tpu.memref_slice %arg6[%dma_wait3A_291] : memref<1024xi32, #tpu.memory_space<vmem>> -> memref<128xi32, #tpu.memory_space<vmem>>
    %dma_wait3A_293 = tpu.memref_slice %arg4[%add3A_210] : memref<16384xi32, #tpu.memory_space<hbm>> -> memref<128xi32, #tpu.memory_space<hbm>>
    %dma_wait3A_294 = tpu.memref_slice %arg4[%add3A_210] : memref<16384xi32, #tpu.memory_space<hbm>> -> memref<128xi32, #tpu.memory_space<hbm>>
    %dma_wait3A_295 = arith.constant 384 : i32
    %dma_wait3A_296 = tpu.memref_slice %arg6[%dma_wait3A_295] : memref<1024xi32, #tpu.memory_space<vmem>> -> memref<128xi32, #tpu.memory_space<vmem>>
    tpu.wait_dma2 semaphore(%arg26 : memref<!tpu.dma_semaphore, #tpu.memory_space<semaphore_mem>>) src(%dma_wait3A_296 : memref<128xi32, #tpu.memory_space<vmem>>) dst(%dma_wait3A_294 : memref<128xi32, #tpu.memory_space<hbm>>)
    %dma_wait3A_297 = arith.constant 512 : i32
    %dma_wait3A_298 = tpu.memref_slice %arg6[%dma_wait3A_297] : memref<1024xi32, #tpu.memory_space<vmem>> -> memref<128xi32, #tpu.memory_space<vmem>>
    %dma_wait3A_299 = tpu.memref_slice %arg4[%add3A_224] : memref<16384xi32, #tpu.memory_space<hbm>> -> memref<128xi32, #tpu.memory_space<hbm>>
    %dma_wait3A_300 = tpu.memref_slice %arg4[%add3A_224] : memref<16384xi32, #tpu.memory_space<hbm>> -> memref<128xi32, #tpu.memory_space<hbm>>
    %dma_wait3A_301 = arith.constant 512 : i32
    %dma_wait3A_302 = tpu.memref_slice %arg6[%dma_wait3A_301] : memref<1024xi32, #tpu.memory_space<vmem>> -> memref<128xi32, #tpu.memory_space<vmem>>
    tpu.wait_dma2 semaphore(%arg27 : memref<!tpu.dma_semaphore, #tpu.memory_space<semaphore_mem>>) src(%dma_wait3A_302 : memref<128xi32, #tpu.memory_space<vmem>>) dst(%dma_wait3A_300 : memref<128xi32, #tpu.memory_space<hbm>>)
    %dma_wait3A_303 = arith.constant 640 : i32
    %dma_wait3A_304 = tpu.memref_slice %arg6[%dma_wait3A_303] : memref<1024xi32, #tpu.memory_space<vmem>> -> memref<128xi32, #tpu.memory_space<vmem>>
    %dma_wait3A_305 = tpu.memref_slice %arg4[%add3A_238] : memref<16384xi32, #tpu.memory_space<hbm>> -> memref<128xi32, #tpu.memory_space<hbm>>
    %dma_wait3A_306 = tpu.memref_slice %arg4[%add3A_238] : memref<16384xi32, #tpu.memory_space<hbm>> -> memref<128xi32, #tpu.memory_space<hbm>>
    %dma_wait3A_307 = arith.constant 640 : i32
    %dma_wait3A_308 = tpu.memref_slice %arg6[%dma_wait3A_307] : memref<1024xi32, #tpu.memory_space<vmem>> -> memref<128xi32, #tpu.memory_space<vmem>>
    tpu.wait_dma2 semaphore(%arg28 : memref<!tpu.dma_semaphore, #tpu.memory_space<semaphore_mem>>) src(%dma_wait3A_308 : memref<128xi32, #tpu.memory_space<vmem>>) dst(%dma_wait3A_306 : memref<128xi32, #tpu.memory_space<hbm>>)
    %dma_wait3A_309 = arith.constant 768 : i32
    %dma_wait3A_310 = tpu.memref_slice %arg6[%dma_wait3A_309] : memref<1024xi32, #tpu.memory_space<vmem>> -> memref<128xi32, #tpu.memory_space<vmem>>
    %dma_wait3A_311 = tpu.memref_slice %arg4[%add3A_252] : memref<16384xi32, #tpu.memory_space<hbm>> -> memref<128xi32, #tpu.memory_space<hbm>>
    %dma_wait3A_312 = tpu.memref_slice %arg4[%add3A_252] : memref<16384xi32, #tpu.memory_space<hbm>> -> memref<128xi32, #tpu.memory_space<hbm>>
    %dma_wait3A_313 = arith.constant 768 : i32
    %dma_wait3A_314 = tpu.memref_slice %arg6[%dma_wait3A_313] : memref<1024xi32, #tpu.memory_space<vmem>> -> memref<128xi32, #tpu.memory_space<vmem>>
    tpu.wait_dma2 semaphore(%arg29 : memref<!tpu.dma_semaphore, #tpu.memory_space<semaphore_mem>>) src(%dma_wait3A_314 : memref<128xi32, #tpu.memory_space<vmem>>) dst(%dma_wait3A_312 : memref<128xi32, #tpu.memory_space<hbm>>)
    %dma_wait3A_315 = arith.constant 896 : i32
    %dma_wait3A_316 = tpu.memref_slice %arg6[%dma_wait3A_315] : memref<1024xi32, #tpu.memory_space<vmem>> -> memref<128xi32, #tpu.memory_space<vmem>>
    %dma_wait3A_317 = tpu.memref_slice %arg4[%add3A_266] : memref<16384xi32, #tpu.memory_space<hbm>> -> memref<128xi32, #tpu.memory_space<hbm>>
    %dma_wait3A_318 = tpu.memref_slice %arg4[%add3A_266] : memref<16384xi32, #tpu.memory_space<hbm>> -> memref<128xi32, #tpu.memory_space<hbm>>
    %dma_wait3A_319 = arith.constant 896 : i32
    %dma_wait3A_320 = tpu.memref_slice %arg6[%dma_wait3A_319] : memref<1024xi32, #tpu.memory_space<vmem>> -> memref<128xi32, #tpu.memory_space<vmem>>
    tpu.wait_dma2 semaphore(%arg30 : memref<!tpu.dma_semaphore, #tpu.memory_space<semaphore_mem>>) src(%dma_wait3A_320 : memref<128xi32, #tpu.memory_space<vmem>>) dst(%dma_wait3A_318 : memref<128xi32, #tpu.memory_space<hbm>>)
    return
  }
}

</mosaic_0001>

<sc_bundles>
// kernel: kernel.3.cloned.1.call-start
scs
__scs_entry_jumppad:
0x0: {  	(pc) =	sbr.rel $0x88, $3  }
0x1: {  	(tag) =	ssettag $0x0;
	lr =	simm.s32 $0x1  }
0x2: {  	[smem:$0x3F9F] =	sst lr;
	_ =	strace $0xD0000000  }
0x3: {  	_ = 	snop  }
0x4: {  	_ = 	snop  }
0x5: {  	_ = 	snop  }
0x6: {  	_ = 	snop  }
0x7: {  	_ = 	snop  }
__scs_overlays_trampoline_lowered:
0x8: {  	[smem:$0x3FAE] =	sst s0  }
0x9: {  	[smem:$0x3FAF] =	sst s1  }
0xa: {  	[smem:$0x3FB0] =	sst s2  }
0xb: {  	[smem:$0x3FB1] =	sst s3  }
0xc: {  	[smem:$0x3FB2] =	sst s4  }
0xd: {  	[smem:$0x3FB3] =	sst s5  }
0xe: {  	[smem:$0x3FB4] =	sst s6  }
0xf: {  	[smem:$0x3FB5] =	sst s7  }
0x10: {  	[smem:$0x3FB6] =	sst s8  }
0x11: {  	[smem:$0x3FB7] =	sst s9;
	s0 =	simm.s32 @!p0 $0x0  }
0x12: {  	s1 =	sld [smem:$0x3F9D];
	s0 =	simm.s32 @p0 $0x1  }
0x13: {  	[smem:$0x3FB8] =	sst s0;
	s0 =	simm.s32 @!p1 $0x0  }
0x14: {  	s2 =	sld [smem:$0x3F9C];
	s0 =	simm.s32 @p1 $0x1  }
0x15: {  	[smem:$0x3FB9] =	sst s0;
	s0 =	simm.s32 @!p2 $0x0  }
0x16: {  	s3 =	sld [smem:$0x3FDB];
	s0 =	simm.s32 @p2 $0x1  }
0x17: {  	s4 =	simm.s32 $0x1BF5;
	[smem:$0x3FBB] =	sst s0  }
0x18: {  	s0 =	sld [smem:$0x3F9E];
	_ =	swait.ge [sflag:s4], $0x0  }
0x19: {  	s7 =	sld [smem:$0x3F9F]  }
0x1a: {  	s8 =	sadd.s32 $0xFFFFE003, lr  }
0x1b: {  	s9 =	sadd.s32 $0xFFFFFEF7, lr;
	s5 =	simm.s32 $0xFFFFFFFF;
	p2 =	slt.u32 s8, $0xFFFFF086  }
0x1c: {  	p1 =	slt.u32 s9, $0xF7A;
	s5 =	simm.s32 @!p2 $0x0  }
0x1d: {  	s5 =	simm.s32 @p1 $0x1;
	p0 =	seq.s32 s7, s2  }
0x1e: {  	s7 =	smul.u32 @!p0 $0xF7A, s2;
	p2 =	seq.s32 @!p0 s5, $0x0  }
0x1f: {  	s9 =	smul.u32 $0xF7A, s1;
	s8 =	simm.s32 @!p0 $0x1BF5;
	p2 =	por !p2, p0  }
0x20: {  	[sflag:s8] =	ssyncset.s32 @!p0 $0xFFFFF086;
	s6 =	sadd.s32 @!p0 s3, s7;
	s7 =	simm.s32 @!p0 $0x108  }
0x21: {  	s3 =	sadd.s32 s3, s9;
	s6 =	sadd.s32 @!p0 $0x88, s6;
	s7 =	simm.s32 @p2 $0x1082  }
0x22: {  	[simem:s7], [sflag:s8] =	dma.local @!p0 [hbm:s6], $0xF7A  }
0x23: {  	s9 =	sor.u32 $0xD0000000, s2;
	s6 =	simm.s32 $0x108;
	_ =	swait.ge @!p0 [sflag:s8], $0x0  }
0x24: {  	s3 =	sadd.s32 $0x88, s3;
	s6 =	simm.s32 @!p1 $0x1082;
	[sflag:s4] =	ssyncset.s32 $0xFFFFF086  }
0x25: {  	[simem:s6], [sflag:s4] =	dma.local [hbm:s3], $0xF7A  }
0x26: {  	[smem:$0x3F9F] =	sst s1;
	(tag) =	ssettag s2;
	_ =	strace s9  }
0x27: {  	s1 =	sld [smem:$0x3FAF]  }
0x28: {  	s2 =	sld [smem:$0x3FB0]  }
0x29: {  	s4 =	sld [smem:$0x3FB2]  }
0x2a: {  	p0 =	seq.s32 s5, $0x0;
	s5 =	sld [smem:$0x3FB3]  }
0x2b: {  	s6 =	sld [smem:$0x3FB4]  }
0x2c: {  	s7 =	sld [smem:$0x3FB5]  }
0x2d: {  	s3 =	simm.s32 $0x108;
	s8 =	sld [smem:$0x3FB6]  }
0x2e: {  	s3 =	simm.s32 @!p0 $0x1082;
	s9 =	sld [smem:$0x3FB7]  }
0x2f: {  	lr =	sadd.s32 s0, s3;
	s0 =	sld [smem:$0x3FAE]  }
0x30: {  	s3 =	sld [smem:$0x3FB1]  }
0x31: {  	[smem:$0x3FBA] =	sst s10  }
0x32: {  	s10 =	sld [smem:$0x3FB8];
	_ =	sdelay $0x3  }
0x33: {  	p0 =	seq.s32 s10, $0x1;
	s10 =	sld [smem:$0x3FBA];
	_ =	sdelay $0x3  }
0x34: {  	[smem:$0x3FBA] =	sst s10  }
0x35: {  	s10 =	sld [smem:$0x3FB9];
	_ =	sdelay $0x3  }
0x36: {  	p1 =	seq.s32 s10, $0x1;
	s10 =	sld [smem:$0x3FBA];
	_ =	sdelay $0x3  }
0x37: {  	[smem:$0x3FBA] =	sst s10  }
0x38: {  	s10 =	sld [smem:$0x3FBB]  }
0x39: {  	_ = 	snop;
	(pc) =	sbr.ind lr, $3  }
0x3a: {  	_ = 	snop  }
0x3b: {  	_ = 	snop  }
0x3c: {  	p2 =	seq.s32 s10, $0x1;
	s10 =	sld [smem:$0x3FBA]  }
0x3d: {  	_ =	shalt  }
0x3e: {  	_ =	shalt  }
0x3f: {  	_ =	shalt  }
0x40: {  	_ =	shalt  }
0x41: {  	_ =	shalt  }
0x42: {  	_ =	shalt  }
0x43: {  	_ =	shalt  }
0x44: {  	_ =	shalt  }
0x45: {  	_ =	shalt  }
0x46: {  	_ =	shalt  }
0x47: {  	_ =	shalt  }
0x48: {  	_ =	shalt  }
0x49: {  	_ =	shalt  }
0x4a: {  	_ =	shalt  }
0x4b: {  	_ =	shalt  }
0x4c: {  	_ =	shalt  }
0x4d: {  	_ =	shalt  }
0x4e: {  	_ =	shalt  }
0x4f: {  	_ =	shalt  }
0x50: {  	_ =	shalt  }
0x51: {  	_ =	shalt  }
0x52: {  	_ =	shalt  }
0x53: {  	_ =	shalt  }
0x54: {  	_ =	shalt  }
0x55: {  	_ =	shalt  }
0x56: {  	_ =	shalt  }
0x57: {  	_ =	shalt  }
0x58: {  	_ =	shalt  }
0x59: {  	_ =	shalt  }
0x5a: {  	_ =	shalt  }
0x5b: {  	_ =	shalt  }
0x5c: {  	_ =	shalt  }
0x5d: {  	_ =	shalt  }
0x5e: {  	_ =	shalt  }
0x5f: {  	_ =	shalt  }
0x60: {  	_ =	shalt  }
0x61: {  	_ =	shalt  }
0x62: {  	_ =	shalt  }
0x63: {  	_ =	shalt  }
0x64: {  	_ =	shalt  }
0x65: {  	_ =	shalt  }
0x66: {  	_ =	shalt  }
0x67: {  	_ =	shalt  }
0x68: {  	_ =	shalt  }
0x69: {  	_ =	shalt  }
0x6a: {  	_ =	shalt  }
0x6b: {  	_ =	shalt  }
0x6c: {  	_ =	shalt  }
0x6d: {  	_ =	shalt  }
0x6e: {  	_ =	shalt  }
0x6f: {  	_ =	shalt  }
0x70: {  	_ =	shalt  }
0x71: {  	_ =	shalt  }
0x72: {  	_ =	shalt  }
0x73: {  	_ =	shalt  }
0x74: {  	_ =	shalt  }
0x75: {  	_ =	shalt  }
0x76: {  	_ =	shalt  }
0x77: {  	_ =	shalt  }
0x78: {  	_ =	shalt  }
0x79: {  	_ =	shalt  }
0x7a: {  	_ =	shalt  }
0x7b: {  	_ =	shalt  }
0x7c: {  	_ =	shalt  }
0x7d: {  	_ =	shalt  }
0x7e: {  	_ =	shalt  }
0x7f: {  	_ =	shalt  }
0x80: {  	_ =	shalt  }
0x81: {  	_ =	shalt  }
0x82: {  	_ =	shalt  }
0x83: {  	_ =	shalt  }
0x84: {  	_ =	shalt  }
0x85: {  	_ =	shalt  }
0x86: {  	_ =	shalt  }
0x87: {  	_ =	shalt  }
.Lfunc_end0:
.L_simem_size_0:
called_computation_lowered:
.L_overlay_start_0:
0x88: {  	s0 =	sld [smem:$0x3FD9]  }
0x89: {  	s1 =	sld [smem:$0x3FFE];
	_ =	sdelay $0x3  }
0x8a: {  	s0 =	sadd.s32 s1, s0  }
0x8b: {  	[smem:$0x3FC6] =	sst s0  }
0x8c: {  	_ = 	snop  }
0x8d: {  	s0 =	sld [smem:$0x3FC9]  }
0x8e: {  	s17 =	sld [smem:$0x3FC8]  }
0x8f: {  	s2 =	sld [smem:$0x3FD0];
	(tm) =	ssettm $0x1  }
0x90: {  	s3 =	sld [smem:$0x3FFB];
	_ =	sdelay $0x3  }
0x91: {  	_ =	strace s3  }
0x92: {  	s3 =	sld [smem:$0x3FFC];
	_ =	sdelay $0x3  }
0x93: {  	_ =	strace s3  }
0x94: {  	s3 =	sld [smem:$0x3FFD];
	_ =	sdelay $0x3  }
0x95: {  	_ =	strace s3  }
0x96: {  	_ =	strace $0x8FFFFFFF  }
0x97: {  	s18 =	sld [smem:$0x3FDB];
	_ =	sdelay $0x1  }
0x98: {  	s4 =	simm.s32 $_scs_section_size  }
0x99: {  	s5 =	simm.s32 $_size__tile_overlayer_lowered;
	s6 =	simm.s32 $_tile_overlayer_lowered  }
0x9a: {  	s21 =	simm.s32 $0x1BFF;
	s20 =	sshll.u32 s6, $0x1;
	s3 =	sadd.s32 s4, s18  }
0x9b: {  	s7 =	simm.s32 $0x0;
	s19 =	sshll.u32 s5, $0x1;
	s5 =	sadd.s32 s20, s3  }
0x9c: {  	[timem:s7], [sflag:s21] =	dma.local [hbm:s5], s19  }
0x9d: {  	_ =	swait.ge [sflag:s21], s19  }
0x9e: {  	s4 =	ssub.s32 $0x0, s19;
	[sflag:s21] =	ssyncset.done $0x0  }
0x9f: {  	[sflag:s21] =	ssyncadd.s32 s4;
	_ =	sdelay $0x1  }
0xa0: {  	s22 =	simm.s32 $0x1B8B  }
0xa1: {  	_ =	swait.ge [sflag:s22], $0x1  }
0xa2: {  	[sflag:s22] =	ssyncset.done $0x0  }
0xa3: {  	s23 =	simm.s32 $0x1B8E;
	[sflag:s22] =	ssyncadd.s32 $0xFFFFFFFF  }
0xa4: {  	s24 =	simm.s32 $execute0_lowered;
	[smem:$0x3FD2] =	sst s23  }
0xa5: {  	s4 =	sshll.u32 s24, $0x1;
	_ =	strace $0x80000046;
	[dreg:$0x1] =	wrdreg $0xFFFFFFFF  }
0xa6: {  	s25 =	simm.s32 $_size_execute0_lowered;
	s3 =	sadd.s32 s3, s4;
	[dreg:$0x0] =	wrdreg $0x0  }
0xa7: {  	s4 =	sshll.u32 s25, $0x1;
	[dreg:$0x2] =	wrdreg s3  }
0xa8: {  	[dreg:$0x3] =	wrdreg s4  }
0xa9: {  	[dreg:$0x4] =	wrdreg $0xC0  }
0xaa: {  	_ =	task [dreg:s7], $0x5FFFF  }
0xab: {  	[dreg:$0x1] =	wrdreg $0xFFFFFFFF  }
0xac: {  	[dreg:$0x0] =	wrdreg $0x60  }
0xad: {  	[dreg:$0x2] =	wrdreg s0  }
0xae: {  	[dreg:$0x3] =	wrdreg s17  }
0xaf: {  	[dreg:$0x4] =	wrdreg s2  }
0xb0: {  	[dreg:$0x5] =	wrdreg $0x9  }
0xb1: {  	_ =	task.clear_ibuf [dreg:s7], $0x6FFFF;
	_ =	strace $0x90000046  }
0xb2: {  	s26 =	simm.s32 $0x9;
	_ =	strace $0x80000048  }
0xb3: {  	_ =	swait.ge [sflag:s26], $0x1  }
0xb4: {  	[sflag:s26] =	ssyncadd.s32 $0xFFFFFFFF  }
0xb5: {  	_ =	strace $0x90000048  }
0xb6: {  	_ =	sfence  }
0xb7: {  	s28 =	sld [smem:$0x0];
	_ =	sdelay $0x1  }
0xb8: {  	s29 =	srdreg.scid  }
0xb9: {  	s30 =	sshll.u32 s29, $0xD;
	s31 =	sshrl.u32 s29, $0x2  }
0xba: {  	s1 =	sand.u32 $0x1, s29;
	s2 =	sand.u32 $0x4000, s30;
	s0 =	sadd.s32 s31, s28  }
0xbb: {  	s1 =	sor.u32 s2, s1;
	s0 =	sshll.u32 s0, $0x11  }
0xbc: {  	s0 =	sor.u32 s0, s1  }
0xbd: {  	s0 =	sadd.s32 $0x8F2B, s0  }
0xbe: {  	[sflag:s0] =	ssyncadd.remote.s32 $0x1  }
0xbf: {  	_ =	sfence.sel $0xFFFF  }
0xc0: {  	[dreg:$0x0] =	wrdreg $0xFFFFFFFF;
	(pc) =	sbr.abs _section_cstart, $3  }
0xc1: {  	[dreg:$0x1] =	wrdreg $0xFFFFFFFF  }
0xc2: {  	_ =	task.clear_ibuf [dreg:s7], $0x2FFFF;
	_ =	strace $0x9FFFFFFF  }
0xc3: {  	(tm) =	ssettm $0x7FFFFFFF  }
tec
execute0_lowered:
.L_overlay_start_1:
0x0: {  	(tag) =	ssettag $0x1  }
0x1: {  	s14 =	rddreg [dreg:$0x0]  }
0x2: {  	s11 =	rddreg [dreg:$0x1]  }
0x3: {  	s2 =	rddreg [dreg:$0x2]  }
0x4: {  	s0 =	rddreg [dreg:$0x3];
	s3 =	simm.s32 $0x0;
	s1 =	stileid.u32  }
0x5: {  	[smem:$0x7FF] =	sst s3;
	s12 =	sshll.u32 s1, $0x7  }
0x6: {  	_ =	strace $0x80000047;
	s4 =	sadd.s32 s14, s12;
	s10 =	sor.u32 $0x10, s12  }
0x7: {  	[tilespmem:s3], [sflag:$0x1] =	stream.linear.gather [hbm4b:s4+s3], $0x80, $0x38;
	[tilespmem:$0x800] =	vst v63  }
0x8: {  	s13 =	simm.s32 $0x80;
	s9 =	sor.u32 $0x20, s12;
	s23 =	sadd.s32 s14, s10  }
0x9: {  	[tilespmem:s13], [sflag:$0x2] =	stream.linear.gather [hbm4b:s23+s3], $0x80, $0x38;
	[tilespmem:$0x800] =	vst v63  }
0xa: {  	s15 =	simm.s32 $0x100;
	s8 =	sor.u32 $0x30, s12;
	s24 =	sadd.s32 s14, s9  }
0xb: {  	[tilespmem:s15], [sflag:$0x3] =	stream.linear.gather [hbm4b:s24+s3], $0x80, $0x38;
	[tilespmem:$0x800] =	vst v63  }
0xc: {  	s16 =	simm.s32 $0x180;
	s7 =	sor.u32 $0x40, s12;
	s25 =	sadd.s32 s14, s8  }
0xd: {  	[tilespmem:s16], [sflag:$0x4] =	stream.linear.gather [hbm4b:s25+s3], $0x80, $0x38;
	[tilespmem:$0x800] =	vst v63  }
0xe: {  	s17 =	simm.s32 $0x200;
	s6 =	sor.u32 $0x50, s12;
	s26 =	sadd.s32 s14, s7  }
0xf: {  	[tilespmem:s17], [sflag:$0x5] =	stream.linear.gather [hbm4b:s26+s3], $0x80, $0x38;
	[tilespmem:$0x800] =	vst v63  }
0x10: {  	s18 =	simm.s32 $0x280;
	s5 =	sor.u32 $0x60, s12;
	s28 =	sadd.s32 s14, s6  }
0x11: {  	[tilespmem:s18], [sflag:$0x6] =	stream.linear.gather [hbm4b:s28+s3], $0x80, $0x38;
	[tilespmem:$0x800] =	vst v63  }
0x12: {  	s20 =	simm.s32 $0x300;
	s19 =	sadd.s32 s14, s5;
	s4 =	sor.u32 $0x70, s12  }
0x13: {  	[tilespmem:s20], [sflag:$0x7] =	stream.linear.gather [hbm4b:s19+s3], $0x80, $0x38;
	[tilespmem:$0x800] =	vst v63  }
0x14: {  	s29 =	simm.s32 $0x1;
	s14 =	sadd.s32 s14, s4;
	s19 =	simm.s32 $0x380  }
0x15: {  	[tilespmem:s19], [sflag:$0x8] =	stream.linear.gather [hbm4b:s14+s3], $0x80, $0x38;
	[tilespmem:$0x800] =	vst v63  }
0x16: {  	_ =	swait.ge [sflag:s29], $0x80  }
0x17: {  	[sflag:s29] =	ssyncset.done $0x0  }
0x18: {  	s21 =	simm.s32 $0x2;
	s14 =	simm.s32 $0x400;
	[sflag:s29] =	ssyncadd.s32 $0xFFFFFF80  }
0x19: {  	[tilespmem:s14], [sflag:$0x9] =	stream.indirect.gather [hbm4b:s11+s13], $0x1, s3, s13, $0xb8;
	[tilespmem:$0x800] =	vst v63  }
0x1a: {  	_ =	swait.ge [sflag:s21], $0x80  }
0x1b: {  	[sflag:s21] =	ssyncset.done $0x0  }
0x1c: {  	s22 =	simm.s32 $0x3;
	[sflag:s21] =	ssyncadd.s32 $0xFFFFFF80;
	s21 =	simm.s32 $0x480  }
0x1d: {  	[tilespmem:s21], [sflag:$0xA] =	stream.indirect.gather [hbm4b:s11+s13], $0x1, s13, s13, $0xb8;
	[tilespmem:$0x800] =	vst v63  }
0x1e: {  	_ =	swait.ge [sflag:s22], $0x80  }
0x1f: {  	[sflag:s22] =	ssyncset.done $0x0  }
0x20: {  	s30 =	simm.s32 $0x4;
	[sflag:s22] =	ssyncadd.s32 $0xFFFFFF80;
	s22 =	simm.s32 $0x500  }
0x21: {  	[tilespmem:s22], [sflag:$0xB] =	stream.indirect.gather [hbm4b:s11+s13], $0x1, s15, s13, $0xb8;
	[tilespmem:$0x800] =	vst v63  }
0x22: {  	_ =	swait.ge [sflag:s30], $0x80  }
0x23: {  	[sflag:s30] =	ssyncset.done $0x0  }
0x24: {  	s31 =	simm.s32 $0x5;
	s15 =	simm.s32 $0x580;
	[sflag:s30] =	ssyncadd.s32 $0xFFFFFF80  }
0x25: {  	[tilespmem:s15], [sflag:$0xC] =	stream.indirect.gather [hbm4b:s11+s13], $0x1, s16, s13, $0xb8;
	[tilespmem:$0x800] =	vst v63  }
0x26: {  	_ =	swait.ge [sflag:s31], $0x80  }
0x27: {  	[sflag:s31] =	ssyncset.done $0x0  }
0x28: {  	s23 =	simm.s32 $0x600;
	s24 =	simm.s32 $0x6;
	[sflag:s31] =	ssyncadd.s32 $0xFFFFFF80  }
0x29: {  	[tilespmem:s23], [sflag:$0xD] =	stream.indirect.gather [hbm4b:s11+s13], $0x1, s17, s13, $0xb8;
	[tilespmem:$0x800] =	vst v63  }
0x2a: {  	_ =	swait.ge [sflag:s24], $0x80  }
0x2b: {  	[sflag:s24] =	ssyncset.done $0x0  }
0x2c: {  	s25 =	simm.s32 $0x680;
	s26 =	simm.s32 $0x7;
	[sflag:s24] =	ssyncadd.s32 $0xFFFFFF80  }
0x2d: {  	[tilespmem:s25], [sflag:$0xE] =	stream.indirect.gather [hbm4b:s11+s13], $0x1, s18, s13, $0xb8;
	[tilespmem:$0x800] =	vst v63  }
0x2e: {  	_ =	swait.ge [sflag:s26], $0x80  }
0x2f: {  	[sflag:s26] =	ssyncset.done $0x0  }
0x30: {  	s28 =	simm.s32 $0x700;
	s29 =	simm.s32 $0x8;
	[sflag:s26] =	ssyncadd.s32 $0xFFFFFF80  }
0x31: {  	[tilespmem:s28], [sflag:$0xF] =	stream.indirect.gather [hbm4b:s11+s13], $0x1, s20, s13, $0xb8;
	[tilespmem:$0x800] =	vst v63  }
0x32: {  	_ =	swait.ge [sflag:s29], $0x80  }
0x33: {  	[sflag:s29] =	ssyncset.done $0x0  }
0x34: {  	s30 =	simm.s32 $0x780;
	s31 =	simm.s32 $0x9;
	[sflag:s29] =	ssyncadd.s32 $0xFFFFFF80  }
0x35: {  	[tilespmem:s30], [sflag:$0x10] =	stream.indirect.gather [hbm4b:s11+s13], $0x1, s19, s13, $0xb8;
	[tilespmem:$0x800] =	vst v63  }
0x36: {  	_ =	swait.ge [sflag:s31], $0x80  }
0x37: {  	[sflag:s31] =	ssyncset.done $0x0  }
0x38: {  	s12 =	sadd.s32 s2, s12;
	[sflag:s31] =	ssyncadd.s32 $0xFFFFFF80  }
0x39: {  	[hbm4b:s12+s3] =	stream.linear.scatter [tilespmem:s14], [sflag:$0x11], $0x80, $0x38;
	[tilespmem:$0x800] =	vst v63  }
0x3a: {  	s12 =	simm.s32 $0xA  }
0x3b: {  	_ =	swait.ge [sflag:s12], $0x80  }
0x3c: {  	[sflag:s12] =	ssyncset.done $0x0  }
0x3d: {  	s10 =	sadd.s32 s2, s10;
	s13 =	simm.s32 $0xB;
	[sflag:s12] =	ssyncadd.s32 $0xFFFFFF80  }
0x3e: {  	[hbm4b:s10+s3] =	stream.linear.scatter [tilespmem:s21], [sflag:$0x12], $0x80, $0x38;
	[tilespmem:$0x800] =	vst v63  }
0x3f: {  	_ =	swait.ge [sflag:s13], $0x80  }
0x40: {  	[sflag:s13] =	ssyncset.done $0x0  }
0x41: {  	s9 =	sadd.s32 s2, s9;
	s14 =	simm.s32 $0xC;
	[sflag:s13] =	ssyncadd.s32 $0xFFFFFF80  }
0x42: {  	[hbm4b:s9+s3] =	stream.linear.scatter [tilespmem:s22], [sflag:$0x13], $0x80, $0x38;
	[tilespmem:$0x800] =	vst v63  }
0x43: {  	_ =	swait.ge [sflag:s14], $0x80  }
0x44: {  	[sflag:s14] =	ssyncset.done $0x0  }
0x45: {  	s8 =	sadd.s32 s2, s8;
	[sflag:s14] =	ssyncadd.s32 $0xFFFFFF80  }
0x46: {  	[hbm4b:s8+s3] =	stream.linear.scatter [tilespmem:s15], [sflag:$0x14], $0x80, $0x38;
	[tilespmem:$0x800] =	vst v63  }
0x47: {  	s15 =	simm.s32 $0xD  }
0x48: {  	_ =	swait.ge [sflag:s15], $0x80  }
0x49: {  	[sflag:s15] =	ssyncset.done $0x0  }
0x4a: {  	s7 =	sadd.s32 s2, s7;
	s19 =	simm.s32 $0xE;
	[sflag:s15] =	ssyncadd.s32 $0xFFFFFF80  }
0x4b: {  	[hbm4b:s7+s3] =	stream.linear.scatter [tilespmem:s23], [sflag:$0x15], $0x80, $0x38;
	[tilespmem:$0x800] =	vst v63  }
0x4c: {  	_ =	swait.ge [sflag:s19], $0x80  }
0x4d: {  	[sflag:s19] =	ssyncset.done $0x0  }
0x4e: {  	s6 =	sadd.s32 s2, s6;
	s21 =	simm.s32 $0xF;
	[sflag:s19] =	ssyncadd.s32 $0xFFFFFF80  }
0x4f: {  	[hbm4b:s6+s3] =	stream.linear.scatter [tilespmem:s25], [sflag:$0x16], $0x80, $0x38;
	[tilespmem:$0x800] =	vst v63  }
0x50: {  	_ =	swait.ge [sflag:s21], $0x80  }
0x51: {  	[sflag:s21] =	ssyncset.done $0x0  }
0x52: {  	s5 =	sadd.s32 s2, s5;
	s22 =	simm.s32 $0x10;
	[sflag:s21] =	ssyncadd.s32 $0xFFFFFF80  }
0x53: {  	[hbm4b:s5+s3] =	stream.linear.scatter [tilespmem:s28], [sflag:$0x17], $0x80, $0x38;
	[tilespmem:$0x800] =	vst v63  }
0x54: {  	_ =	swait.ge [sflag:s22], $0x80  }
0x55: {  	[sflag:s22] =	ssyncset.done $0x0  }
0x56: {  	s2 =	sadd.s32 s2, s4;
	s23 =	simm.s32 $0x11;
	[sflag:s22] =	ssyncadd.s32 $0xFFFFFF80  }
0x57: {  	[hbm4b:s2+s3] =	stream.linear.scatter [tilespmem:s30], [sflag:$0x18], $0x80, $0x38;
	[tilespmem:$0x800] =	vst v63  }
0x58: {  	_ =	swait.ge [sflag:s23], $0x80  }
0x59: {  	[sflag:s23] =	ssyncset.done $0x0  }
0x5a: {  	s24 =	simm.s32 $0x12;
	[sflag:s23] =	ssyncadd.s32 $0xFFFFFF80  }
0x5b: {  	_ =	swait.ge [sflag:s24], $0x80  }
0x5c: {  	[sflag:s24] =	ssyncset.done $0x0  }
0x5d: {  	s25 =	simm.s32 $0x13;
	[sflag:s24] =	ssyncadd.s32 $0xFFFFFF80  }
0x5e: {  	_ =	swait.ge [sflag:s25], $0x80  }
0x5f: {  	[sflag:s25] =	ssyncset.done $0x0  }
0x60: {  	s26 =	simm.s32 $0x14;
	[sflag:s25] =	ssyncadd.s32 $0xFFFFFF80  }
0x61: {  	_ =	swait.ge [sflag:s26], $0x80  }
0x62: {  	[sflag:s26] =	ssyncset.done $0x0  }
0x63: {  	s28 =	simm.s32 $0x15;
	[sflag:s26] =	ssyncadd.s32 $0xFFFFFF80  }
0x64: {  	_ =	swait.ge [sflag:s28], $0x80  }
0x65: {  	[sflag:s28] =	ssyncset.done $0x0  }
0x66: {  	s29 =	simm.s32 $0x16;
	[sflag:s28] =	ssyncadd.s32 $0xFFFFFF80  }
0x67: {  	_ =	swait.ge [sflag:s29], $0x80  }
0x68: {  	[sflag:s29] =	ssyncset.done $0x0  }
0x69: {  	s30 =	simm.s32 $0x17;
	[sflag:s29] =	ssyncadd.s32 $0xFFFFFF80  }
0x6a: {  	_ =	swait.ge [sflag:s30], $0x80  }
0x6b: {  	[sflag:s30] =	ssyncset.done $0x0  }
0x6c: {  	s31 =	simm.s32 $0x18;
	[sflag:s30] =	ssyncadd.s32 $0xFFFFFF80  }
0x6d: {  	_ =	swait.ge [sflag:s31], $0x80  }
0x6e: {  	[sflag:s31] =	ssyncset.done $0x0  }
0x6f: {  	[sflag:s31] =	ssyncadd.s32 $0xFFFFFF80  }
0x70: {  	_ =	sfence.sel $0x180000  }
0x71: {  	[bflag:$0x0] =	sbarrier.arrive $0xFFFF  }
0x72: {  	p0 =	sne.s32 s1, $0x0;
	_ =	strace $0x90000047  }
0x73: {  	s0 =	sadd.s32 @!p0 $0x100000, s0;
	[bflag:$0x2] =	sbarrier.arrive $0xFFFF  }
0x74: {  	[sflag:s0] =	ssyncadd.tile.s32 @!p0 $0x1;
	_ =	shalt  }
.Lfunc_end2:
_tile_overlayer_lowered:
.L_overlay_start_2:
0x75: {  	(tag) =	ssettag $0x2  }
0x76: {  	s0 =	rddreg [dreg:$0x0];
	s2 =	stileid.u32  }
0x77: {  	s1 =	rddreg [dreg:$0x1];
	p0 =	sne.s32 s2, $0x0  }
0x78: {  	s3 =	rddreg [dreg:$0x2];
	[bflag:$0x3] =	sbarrier.arrive $0xFFFF;
	s2 =	simm.s32 @!p0 $0x1C19  }
0x79: {  	[timem:s3], [sflag:s2] =	dma.local @!p0 [hbm:s0], s1  }
0x7a: {  	s0 =	simm.s32 @!p0 $0x19  }
0x7b: {  	_ =	swait.ge @!p0 [sflag:s0], s1  }
0x7c: {  	s1 =	ssub.s32 @!p0 $0x0, s1;
	[sflag:s0] =	ssyncset.done @!p0 $0x0  }
0x7d: {  	[sflag:s0] =	ssyncadd.s32 @!p0 s1  }
0x7e: {  	[bflag:$0x3] =	sbarrier.arrive $0xFFFF  }
0x7f: {  	_ =	shalt  }

</sc_bundles>
